<compile_context>
chip_gen: v7x
topology: tpu7x:2x2x1
jax: 0.10.2.dev20260603
libtpu: 0.0.44.dev20260713+nightly
codegen_flags: <defaults>
</compile_context>

<pallas_src>
import functools

import jax
import jax.numpy as jnp
from jax import lax
from jax.experimental import pallas as pl
from jax.experimental.pallas import tpu as pltpu
from jax.experimental.pallas import tpu_sc as plsc

_B, _D, _A, _S = 16384, 128, 64, 64
_BT = 1024
_NROW = 192
_NPAD = _NROW - (_A + _S + 1)

_NC, _NS = 2, 16
_NW = _NC * _NS
_ROWS_W = _A // _NW * 2
_CHUNK = 4096
_NCH = _B // _CHUNK


def _tc_body(state_ref, w_ref, b_ref, mean_ref, value_ref, onehot_ref):
    x = state_ref[...]
    w = w_ref[...]
    y = jax.lax.dot_general(w, x, (((1,), (1,)), ((), ())),
                            preferred_element_type=jnp.float32)
    y = y + b_ref[...]
    mean_ref[...] = y[:_A, :]
    logits = y[_A:_A + _S, :]
    m = jnp.max(logits, axis=0, keepdims=True)
    iota = jax.lax.broadcasted_iota(jnp.int32, (_S, _BT), 0)
    first = jnp.min(jnp.where(logits == m, iota, _S), axis=0, keepdims=True)
    onehot_ref[...] = (iota == first).astype(jnp.float32)
    value_ref[...] = y[_A + _S, :]


def _sc_std_body(out_hbm, zbuf, sem):
    wid = lax.axis_index("s") * _NC + lax.axis_index("c")
    row0 = wid * 2

    def _zero(i, carry):
        zbuf[0, pl.ds(i * 16, 16)] = jnp.zeros((16,), jnp.float32)
        return carry

    lax.fori_loop(0, _CHUNK // 16, _zero, 0)
    copies = [
        pltpu.async_copy(
            zbuf,
            out_hbm.at[pl.ds(row0 + k // _NCH, 1),
                       pl.ds((k % _NCH) * _CHUNK, _CHUNK)],
            sem)
        for k in range(2 * _NCH)
    ]
    for c in copies:
        c.wait()


@functools.cache
def _make_sc_std_zeros():
    return pl.kernel(
        _sc_std_body,
        out_type=jax.ShapeDtypeStruct((_A, _B), jnp.float32),
        mesh=plsc.VectorSubcoreMesh(core_axis_name="c", subcore_axis_name="s",
                                    num_cores=_NC, num_subcores=_NS),
        scratch_types=[
            pltpu.VMEM((1, _CHUNK), jnp.float32),
            pltpu.SemaphoreType.DMA,
        ],
    )


def kernel(state, W_skill, b_skill, W_action, b_action, W_value, b_value):
    w_rows = jnp.concatenate(
        [W_action, W_skill, W_value, jnp.zeros((_NPAD, _D), jnp.float32)],
        axis=0)
    b_col = jnp.concatenate(
        [b_action, b_skill, b_value,
         jnp.zeros((_NPAD,), jnp.float32)]).reshape(_NROW, 1)

    mean_t, value, onehot_t = pl.pallas_call(
        _tc_body,
        grid=(_B // _BT,),
        in_specs=[
            pl.BlockSpec((_BT, _D), lambda i: (i, 0)),
            pl.BlockSpec((_NROW, _D), lambda i: (0, 0)),
            pl.BlockSpec((_NROW, 1), lambda i: (0, 0)),
        ],
        out_specs=[
            pl.BlockSpec((_A, _BT), lambda i: (0, i)),
            pl.BlockSpec((_BT,), lambda i: (i,)),
            pl.BlockSpec((_S, _BT), lambda i: (0, i)),
        ],
        out_shape=[
            jax.ShapeDtypeStruct((_A, _B), jnp.float32),
            jax.ShapeDtypeStruct((_B,), jnp.float32),
            jax.ShapeDtypeStruct((_S, _B), jnp.float32),
        ],
        compiler_params=pltpu.CompilerParams(
            dimension_semantics=("arbitrary",),
        ),
    )(state, w_rows, b_col)

    std_t = _make_sc_std_zeros()()
    return (mean_t.T, std_t.T, value, onehot_t.T)

# --- scband reference (transcript-rebuilt; emitter-appended) ---
"""Pipeline reference for scband-hierarchical-policy-30717606101346 (READ-ONLY COPY).

The authoritative reference and input builder live on the scoring server;
editing this copy changes nothing except your own understanding.
"""

import jax, jax.numpy as jnp
import numpy as np

B, D, A, S = 16384, 128, 64, 64


def setup_inputs(seed: int = 0) -> dict:
    key = jax.random.key(seed)
    ks = jax.random.split(key, 7)
    scale = 1.0 / np.sqrt(D)
    state = jax.random.normal(ks[0], (B, D), dtype=jnp.float32)
    W_skill = jax.random.uniform(ks[1], (S, D), dtype=jnp.float32, minval=-scale, maxval=scale)
    b_skill = jax.random.uniform(ks[2], (S,), dtype=jnp.float32, minval=-scale, maxval=scale)
    W_action = jax.random.uniform(ks[3], (A, D), dtype=jnp.float32, minval=-scale, maxval=scale)
    b_action = jax.random.uniform(ks[4], (A,), dtype=jnp.float32, minval=-scale, maxval=scale)
    W_value = jax.random.uniform(ks[5], (1, D), dtype=jnp.float32, minval=-scale, maxval=scale)
    b_value = jax.random.uniform(ks[6], (1,), dtype=jnp.float32, minval=-scale, maxval=scale)
    return {"state": state, "W_skill": W_skill, "b_skill": b_skill,
            "W_action": W_action, "b_action": b_action,
            "W_value": W_value, "b_value": b_value}


def reference(state, W_skill, b_skill, W_action, b_action, W_value, b_value):
    # action_head
    mean = state @ W_action.T + b_action
    std = jnp.zeros_like(mean)
    # value_head with squeeze(-1)
    value = (state @ W_value.T + b_value).squeeze(-1)
    # select_skill (deterministic=True): softmax -> argmax -> one-hot scatter
    logits = state @ W_skill.T + b_skill
    probs = jax.nn.softmax(logits, axis=-1)
    idx = jnp.argmax(probs, axis=-1)
    one_hot = jnp.zeros_like(probs).at[jnp.arange(probs.shape[0]), idx].set(1.0)
    return (mean, std, value, one_hot)

if __name__ == "__main__":
    import jax
    _d = setup_inputs()
    print(jax.jit(kernel)(*tuple(_d.values())))

</pallas_src>

<mosaic_0001>
#map = affine_map<(d0, d1) -> (0, 0)>
module attributes {stable_mosaic.version = 14 : i64} {
  func.func @_sc_std_body(%arg0: i32, %arg1: i32, %arg2: memref<64x16384xf32, #tpu.memory_space<hbm>>, %arg3: memref<1x4096xf32, #tpu.memory_space<vmem>>, %arg4: memref<!tpu.dma_semaphore, #tpu.memory_space<semaphore_mem>>) attributes {dimension_semantics = [#tpu.dimension_semantics<core_parallel>, #tpu.dimension_semantics<subcore_parallel>], iteration_bounds = array<i64: 2, 16>, scalar_prefetch = 0 : i64, scratch_operands = 2 : i64, tpu.core_type = #tpu.core_type<sc_vector_subcore>, window_params = [{transform_indices = #map}]} {
    %mul3A = arith.constant 2 : i32
    %mul3A_0 = arith.muli %arg1, %mul3A : i32
    %add3A = arith.addi %mul3A_0, %arg0 : i32
    %mul3A_1 = arith.constant 2 : i32
    %mul3A_2 = arith.muli %add3A, %mul3A_1 : i32
    %scan3A = arith.constant 0 : i32
    %scan3A_3 = arith.constant 0 : i32
    %scan3A_4 = arith.constant 256 : i32
    %scan3A_5 = arith.addi %scan3A_3, %scan3A_4 : i32
    %scan3A_6 = arith.constant 1 : i32
    scf.for %scan3A_86 = %scan3A_3 to %scan3A_5 step %scan3A_6  : i32 {
      %broadcast_in_dim3A = arith.constant 0.000000e+00 : f32
      %broadcast_in_dim3A_87 = vector.broadcast %broadcast_in_dim3A : f32 to vector<16xf32>
      %mul3A_88 = arith.constant 16 : i32
      %mul3A_89 = arith.muli %scan3A_86, %mul3A_88 : i32
      %swap3A = arith.constant 0 : i32
      %swap3A_90 = arith.index_cast %swap3A : i32 to index
      %swap3A_91 = arith.index_cast %mul3A_89 : i32 to index
      %swap3A_92 = tpu.vector_load %arg3[%swap3A_90, %swap3A_91] {strides = array<i32>} : memref<1x4096xf32, #tpu.memory_space<vmem>>, vector<1x16xf32>,
      %swap3A_93 = vector.shape_cast %swap3A_92 : vector<1x16xf32> to vector<16xf32>
      %swap3A_94 = vector.shape_cast %broadcast_in_dim3A_87 : vector<16xf32> to vector<1x16xf32>
      tpu.vector_store %arg3[%swap3A_90, %swap3A_91], %swap3A_94 {strides = array<i32>} : memref<1x4096xf32, #tpu.memory_space<vmem>>, vector<1x16xf32>,
    }
    %scan3A_7 = arith.constant 256 : i32
    %add3A_8 = arith.constant 0 : i32
    %add3A_9 = arith.addi %mul3A_2, %add3A_8 : i32
    %dma_start3A = arith.constant 0 : i32
    %dma_start3A_10 = tpu.memref_slice %arg2[%add3A_9, %dma_start3A] : memref<64x16384xf32, #tpu.memory_space<hbm>> -> memref<1x4096xf32, #tpu.memory_space<hbm>>
    %dma_start3A_11 = arith.constant 0 : i32
    %dma_start3A_12 = tpu.memref_slice %arg2[%add3A_9, %dma_start3A_11] : memref<64x16384xf32, #tpu.memory_space<hbm>> -> memref<1x4096xf32, #tpu.memory_space<hbm>>
    tpu.enqueue_dma source(%arg3 : memref<1x4096xf32, #tpu.memory_space<vmem>>) target(%dma_start3A_12 : memref<1x4096xf32, #tpu.memory_space<hbm>>) target_semaphore(%arg4 : memref<!tpu.dma_semaphore, #tpu.memory_space<semaphore_mem>>)
    %add3A_13 = arith.constant 0 : i32
    %add3A_14 = arith.addi %mul3A_2, %add3A_13 : i32
    %dma_start3A_15 = arith.constant 4096 : i32
    %dma_start3A_16 = tpu.memref_slice %arg2[%add3A_14, %dma_start3A_15] : memref<64x16384xf32, #tpu.memory_space<hbm>> -> memref<1x4096xf32, #tpu.memory_space<hbm>>
    %dma_start3A_17 = arith.constant 4096 : i32
    %dma_start3A_18 = tpu.memref_slice %arg2[%add3A_14, %dma_start3A_17] : memref<64x16384xf32, #tpu.memory_space<hbm>> -> memref<1x4096xf32, #tpu.memory_space<hbm>>
    tpu.enqueue_dma source(%arg3 : memref<1x4096xf32, #tpu.memory_space<vmem>>) target(%dma_start3A_18 : memref<1x4096xf32, #tpu.memory_space<hbm>>) target_semaphore(%arg4 : memref<!tpu.dma_semaphore, #tpu.memory_space<semaphore_mem>>)
    %add3A_19 = arith.constant 0 : i32
    %add3A_20 = arith.addi %mul3A_2, %add3A_19 : i32
    %dma_start3A_21 = arith.constant 8192 : i32
    %dma_start3A_22 = tpu.memref_slice %arg2[%add3A_20, %dma_start3A_21] : memref<64x16384xf32, #tpu.memory_space<hbm>> -> memref<1x4096xf32, #tpu.memory_space<hbm>>
    %dma_start3A_23 = arith.constant 8192 : i32
    %dma_start3A_24 = tpu.memref_slice %arg2[%add3A_20, %dma_start3A_23] : memref<64x16384xf32, #tpu.memory_space<hbm>> -> memref<1x4096xf32, #tpu.memory_space<hbm>>
    tpu.enqueue_dma source(%arg3 : memref<1x4096xf32, #tpu.memory_space<vmem>>) target(%dma_start3A_24 : memref<1x4096xf32, #tpu.memory_space<hbm>>) target_semaphore(%arg4 : memref<!tpu.dma_semaphore, #tpu.memory_space<semaphore_mem>>)
    %add3A_25 = arith.constant 0 : i32
    %add3A_26 = arith.addi %mul3A_2, %add3A_25 : i32
    %dma_start3A_27 = arith.constant 12288 : i32
    %dma_start3A_28 = tpu.memref_slice %arg2[%add3A_26, %dma_start3A_27] : memref<64x16384xf32, #tpu.memory_space<hbm>> -> memref<1x4096xf32, #tpu.memory_space<hbm>>
    %dma_start3A_29 = arith.constant 12288 : i32
    %dma_start3A_30 = tpu.memref_slice %arg2[%add3A_26, %dma_start3A_29] : memref<64x16384xf32, #tpu.memory_space<hbm>> -> memref<1x4096xf32, #tpu.memory_space<hbm>>
    tpu.enqueue_dma source(%arg3 : memref<1x4096xf32, #tpu.memory_space<vmem>>) target(%dma_start3A_30 : memref<1x4096xf32, #tpu.memory_space<hbm>>) target_semaphore(%arg4 : memref<!tpu.dma_semaphore, #tpu.memory_space<semaphore_mem>>)
    %add3A_31 = arith.constant 1 : i32
    %add3A_32 = arith.addi %mul3A_2, %add3A_31 : i32
    %dma_start3A_33 = arith.constant 0 : i32
    %dma_start3A_34 = tpu.memref_slice %arg2[%add3A_32, %dma_start3A_33] : memref<64x16384xf32, #tpu.memory_space<hbm>> -> memref<1x4096xf32, #tpu.memory_space<hbm>>
    %dma_start3A_35 = arith.constant 0 : i32
    %dma_start3A_36 = tpu.memref_slice %arg2[%add3A_32, %dma_start3A_35] : memref<64x16384xf32, #tpu.memory_space<hbm>> -> memref<1x4096xf32, #tpu.memory_space<hbm>>
    tpu.enqueue_dma source(%arg3 : memref<1x4096xf32, #tpu.memory_space<vmem>>) target(%dma_start3A_36 : memref<1x4096xf32, #tpu.memory_space<hbm>>) target_semaphore(%arg4 : memref<!tpu.dma_semaphore, #tpu.memory_space<semaphore_mem>>)
    %add3A_37 = arith.constant 1 : i32
    %add3A_38 = arith.addi %mul3A_2, %add3A_37 : i32
    %dma_start3A_39 = arith.constant 4096 : i32
    %dma_start3A_40 = tpu.memref_slice %arg2[%add3A_38, %dma_start3A_39] : memref<64x16384xf32, #tpu.memory_space<hbm>> -> memref<1x4096xf32, #tpu.memory_space<hbm>>
    %dma_start3A_41 = arith.constant 4096 : i32
    %dma_start3A_42 = tpu.memref_slice %arg2[%add3A_38, %dma_start3A_41] : memref<64x16384xf32, #tpu.memory_space<hbm>> -> memref<1x4096xf32, #tpu.memory_space<hbm>>
    tpu.enqueue_dma source(%arg3 : memref<1x4096xf32, #tpu.memory_space<vmem>>) target(%dma_start3A_42 : memref<1x4096xf32, #tpu.memory_space<hbm>>) target_semaphore(%arg4 : memref<!tpu.dma_semaphore, #tpu.memory_space<semaphore_mem>>)
    %add3A_43 = arith.constant 1 : i32
    %add3A_44 = arith.addi %mul3A_2, %add3A_43 : i32
    %dma_start3A_45 = arith.constant 8192 : i32
    %dma_start3A_46 = tpu.memref_slice %arg2[%add3A_44, %dma_start3A_45] : memref<64x16384xf32, #tpu.memory_space<hbm>> -> memref<1x4096xf32, #tpu.memory_space<hbm>>
    %dma_start3A_47 = arith.constant 8192 : i32
    %dma_start3A_48 = tpu.memref_slice %arg2[%add3A_44, %dma_start3A_47] : memref<64x16384xf32, #tpu.memory_space<hbm>> -> memref<1x4096xf32, #tpu.memory_space<hbm>>
    tpu.enqueue_dma source(%arg3 : memref<1x4096xf32, #tpu.memory_space<vmem>>) target(%dma_start3A_48 : memref<1x4096xf32, #tpu.memory_space<hbm>>) target_semaphore(%arg4 : memref<!tpu.dma_semaphore, #tpu.memory_space<semaphore_mem>>)
    %add3A_49 = arith.constant 1 : i32
    %add3A_50 = arith.addi %mul3A_2, %add3A_49 : i32
    %dma_start3A_51 = arith.constant 12288 : i32
    %dma_start3A_52 = tpu.memref_slice %arg2[%add3A_50, %dma_start3A_51] : memref<64x16384xf32, #tpu.memory_space<hbm>> -> memref<1x4096xf32, #tpu.memory_space<hbm>>
    %dma_start3A_53 = arith.constant 12288 : i32
    %dma_start3A_54 = tpu.memref_slice %arg2[%add3A_50, %dma_start3A_53] : memref<64x16384xf32, #tpu.memory_space<hbm>> -> memref<1x4096xf32, #tpu.memory_space<hbm>>
    tpu.enqueue_dma source(%arg3 : memref<1x4096xf32, #tpu.memory_space<vmem>>) target(%dma_start3A_54 : memref<1x4096xf32, #tpu.memory_space<hbm>>) target_semaphore(%arg4 : memref<!tpu.dma_semaphore, #tpu.memory_space<semaphore_mem>>)
    %dma_wait3A = arith.constant 0 : i32
    %dma_wait3A_55 = tpu.memref_slice %arg2[%add3A_9, %dma_wait3A] : memref<64x16384xf32, #tpu.memory_space<hbm>> -> memref<1x4096xf32, #tpu.memory_space<hbm>>
    %dma_wait3A_56 = arith.constant 0 : i32
    %dma_wait3A_57 = tpu.memref_slice %arg2[%add3A_9, %dma_wait3A_56] : memref<64x16384xf32, #tpu.memory_space<hbm>> -> memref<1x4096xf32, #tpu.memory_space<hbm>>
    tpu.wait_dma2 semaphore(%arg4 : memref<!tpu.dma_semaphore, #tpu.memory_space<semaphore_mem>>) src(%arg3 : memref<1x4096xf32, #tpu.memory_space<vmem>>) dst(%dma_wait3A_57 : memref<1x4096xf32, #tpu.memory_space<hbm>>)
    %dma_wait3A_58 = arith.constant 4096 : i32
    %dma_wait3A_59 = tpu.memref_slice %arg2[%add3A_14, %dma_wait3A_58] : memref<64x16384xf32, #tpu.memory_space<hbm>> -> memref<1x4096xf32, #tpu.memory_space<hbm>>
    %dma_wait3A_60 = arith.constant 4096 : i32
    %dma_wait3A_61 = tpu.memref_slice %arg2[%add3A_14, %dma_wait3A_60] : memref<64x16384xf32, #tpu.memory_space<hbm>> -> memref<1x4096xf32, #tpu.memory_space<hbm>>
    tpu.wait_dma2 semaphore(%arg4 : memref<!tpu.dma_semaphore, #tpu.memory_space<semaphore_mem>>) src(%arg3 : memref<1x4096xf32, #tpu.memory_space<vmem>>) dst(%dma_wait3A_61 : memref<1x4096xf32, #tpu.memory_space<hbm>>)
    %dma_wait3A_62 = arith.constant 8192 : i32
    %dma_wait3A_63 = tpu.memref_slice %arg2[%add3A_20, %dma_wait3A_62] : memref<64x16384xf32, #tpu.memory_space<hbm>> -> memref<1x4096xf32, #tpu.memory_space<hbm>>
    %dma_wait3A_64 = arith.constant 8192 : i32
    %dma_wait3A_65 = tpu.memref_slice %arg2[%add3A_20, %dma_wait3A_64] : memref<64x16384xf32, #tpu.memory_space<hbm>> -> memref<1x4096xf32, #tpu.memory_space<hbm>>
    tpu.wait_dma2 semaphore(%arg4 : memref<!tpu.dma_semaphore, #tpu.memory_space<semaphore_mem>>) src(%arg3 : memref<1x4096xf32, #tpu.memory_space<vmem>>) dst(%dma_wait3A_65 : memref<1x4096xf32, #tpu.memory_space<hbm>>)
    %dma_wait3A_66 = arith.constant 12288 : i32
    %dma_wait3A_67 = tpu.memref_slice %arg2[%add3A_26, %dma_wait3A_66] : memref<64x16384xf32, #tpu.memory_space<hbm>> -> memref<1x4096xf32, #tpu.memory_space<hbm>>
    %dma_wait3A_68 = arith.constant 12288 : i32
    %dma_wait3A_69 = tpu.memref_slice %arg2[%add3A_26, %dma_wait3A_68] : memref<64x16384xf32, #tpu.memory_space<hbm>> -> memref<1x4096xf32, #tpu.memory_space<hbm>>
    tpu.wait_dma2 semaphore(%arg4 : memref<!tpu.dma_semaphore, #tpu.memory_space<semaphore_mem>>) src(%arg3 : memref<1x4096xf32, #tpu.memory_space<vmem>>) dst(%dma_wait3A_69 : memref<1x4096xf32, #tpu.memory_space<hbm>>)
    %dma_wait3A_70 = arith.constant 0 : i32
    %dma_wait3A_71 = tpu.memref_slice %arg2[%add3A_32, %dma_wait3A_70] : memref<64x16384xf32, #tpu.memory_space<hbm>> -> memref<1x4096xf32, #tpu.memory_space<hbm>>
    %dma_wait3A_72 = arith.constant 0 : i32
    %dma_wait3A_73 = tpu.memref_slice %arg2[%add3A_32, %dma_wait3A_72] : memref<64x16384xf32, #tpu.memory_space<hbm>> -> memref<1x4096xf32, #tpu.memory_space<hbm>>
    tpu.wait_dma2 semaphore(%arg4 : memref<!tpu.dma_semaphore, #tpu.memory_space<semaphore_mem>>) src(%arg3 : memref<1x4096xf32, #tpu.memory_space<vmem>>) dst(%dma_wait3A_73 : memref<1x4096xf32, #tpu.memory_space<hbm>>)
    %dma_wait3A_74 = arith.constant 4096 : i32
    %dma_wait3A_75 = tpu.memref_slice %arg2[%add3A_38, %dma_wait3A_74] : memref<64x16384xf32, #tpu.memory_space<hbm>> -> memref<1x4096xf32, #tpu.memory_space<hbm>>
    %dma_wait3A_76 = arith.constant 4096 : i32
    %dma_wait3A_77 = tpu.memref_slice %arg2[%add3A_38, %dma_wait3A_76] : memref<64x16384xf32, #tpu.memory_space<hbm>> -> memref<1x4096xf32, #tpu.memory_space<hbm>>
    tpu.wait_dma2 semaphore(%arg4 : memref<!tpu.dma_semaphore, #tpu.memory_space<semaphore_mem>>) src(%arg3 : memref<1x4096xf32, #tpu.memory_space<vmem>>) dst(%dma_wait3A_77 : memref<1x4096xf32, #tpu.memory_space<hbm>>)
    %dma_wait3A_78 = arith.constant 8192 : i32
    %dma_wait3A_79 = tpu.memref_slice %arg2[%add3A_44, %dma_wait3A_78] : memref<64x16384xf32, #tpu.memory_space<hbm>> -> memref<1x4096xf32, #tpu.memory_space<hbm>>
    %dma_wait3A_80 = arith.constant 8192 : i32
    %dma_wait3A_81 = tpu.memref_slice %arg2[%add3A_44, %dma_wait3A_80] : memref<64x16384xf32, #tpu.memory_space<hbm>> -> memref<1x4096xf32, #tpu.memory_space<hbm>>
    tpu.wait_dma2 semaphore(%arg4 : memref<!tpu.dma_semaphore, #tpu.memory_space<semaphore_mem>>) src(%arg3 : memref<1x4096xf32, #tpu.memory_space<vmem>>) dst(%dma_wait3A_81 : memref<1x4096xf32, #tpu.memory_space<hbm>>)
    %dma_wait3A_82 = arith.constant 12288 : i32
    %dma_wait3A_83 = tpu.memref_slice %arg2[%add3A_50, %dma_wait3A_82] : memref<64x16384xf32, #tpu.memory_space<hbm>> -> memref<1x4096xf32, #tpu.memory_space<hbm>>
    %dma_wait3A_84 = arith.constant 12288 : i32
    %dma_wait3A_85 = tpu.memref_slice %arg2[%add3A_50, %dma_wait3A_84] : memref<64x16384xf32, #tpu.memory_space<hbm>> -> memref<1x4096xf32, #tpu.memory_space<hbm>>
    tpu.wait_dma2 semaphore(%arg4 : memref<!tpu.dma_semaphore, #tpu.memory_space<semaphore_mem>>) src(%arg3 : memref<1x4096xf32, #tpu.memory_space<vmem>>) dst(%dma_wait3A_85 : memref<1x4096xf32, #tpu.memory_space<hbm>>)
    return
  }
}

module attributes {stable_mosaic.version = 14 : i64} {
  func.func @_tc_body(%arg0: i32, %arg1: memref<1024x128xf32, #tpu.memory_space<vmem>>, %arg2: memref<192x128xf32, #tpu.memory_space<vmem>>, %arg3: memref<192x1xf32, #tpu.memory_space<vmem>>, %arg4: memref<64x1024xf32, #tpu.memory_space<vmem>>, %arg5: memref<1024xf32, #tpu.memory_space<vmem>>, %arg6: memref<64x1024xf32, #tpu.memory_space<vmem>>) attributes {dimension_semantics = [#tpu.dimension_semantics<arbitrary>], iteration_bounds = array<i64: 16>, scalar_prefetch = 0 : i64, scratch_operands = 0 : i64, tpu.core_type = #tpu.core_type<tc>, window_params = [{transform_indices = @transform_0, window_bounds = array<i64: 1024, 128>}, {pipeline_mode = #tpu.pipeline_mode<synchronous>, transform_indices = @transform_1, window_bounds = array<i64: 192, 128>}, {pipeline_mode = #tpu.pipeline_mode<synchronous>, transform_indices = @transform_2, window_bounds = array<i64: 192, 1>}, {transform_indices = @transform_3, window_bounds = array<i64: 64, 1024>}, {transform_indices = @transform_4, window_bounds = array<i64: 1024>}, {transform_indices = @transform_5, window_bounds = array<i64: 64, 1024>}]} {
    %get3A = arith.constant 0 : index
    %get3A_0 = arith.constant 0 : index
    %get3A_1 = vector.load %arg1[%get3A, %get3A_0] : memref<1024x128xf32, #tpu.memory_space<vmem>>, vector<1024x128xf32>
    %get3A_2 = arith.constant 0 : index
    %get3A_3 = arith.constant 0 : index
    %get3A_4 = vector.load %arg2[%get3A_2, %get3A_3] : memref<192x128xf32, #tpu.memory_space<vmem>>, vector<192x128xf32>
    %dot_general3A = arith.constant dense<0.000000e+00> : vector<192x1024xf32>
    %dot_general3A_5 = tpu.matmul %get3A_4, %get3A_1, %dot_general3A {dimension_numbers = #tpu.dot_dimension_numbers<[1], [1], [0], [0], [0, 0, 1, 0], [], []>, transpose_lhs_hint = false} : vector<192x128xf32>, vector<1024x128xf32>, vector<192x1024xf32> -> vector<192x1024xf32>
    %get3A_6 = arith.constant 0 : index
    %get3A_7 = arith.constant 0 : index
    %get3A_8 = vector.load %arg3[%get3A_6, %get3A_7] : memref<192x1xf32, #tpu.memory_space<vmem>>, vector<192x1xf32>
    %add3A = vector.broadcast %get3A_8 : vector<192x1xf32> to vector<192x1024xf32>
    %add3A_9 = arith.addf %dot_general3A_5, %add3A : vector<192x1024xf32>
    %slice3A = vector.extract_strided_slice %add3A_9 {offsets = [0, 0], sizes = [64, 1024], strides = [1, 1]} : vector<192x1024xf32> to vector<64x1024xf32>
    %swap3A = arith.constant 0 : index
    %swap3A_10 = arith.constant 0 : index
    %swap3A_11 = vector.load %arg4[%swap3A, %swap3A_10] : memref<64x1024xf32, #tpu.memory_space<vmem>>, vector<64x1024xf32>
    tpu.vector_store %arg4[%swap3A, %swap3A_10], %slice3A {strides = array<i32>} : memref<64x1024xf32, #tpu.memory_space<vmem>>, vector<64x1024xf32>,
    %slice3A_12 = vector.extract_strided_slice %add3A_9 {offsets = [64, 0], sizes = [64, 1024], strides = [1, 1]} : vector<192x1024xf32> to vector<64x1024xf32>
    %reduce_max3A = arith.constant dense<0xFF800000> : vector<1024xf32>
    %reduce_max3A_13 = vector.multi_reduction <maximumf>, %slice3A_12, %reduce_max3A [0] : vector<64x1024xf32> to vector<1024xf32>
    %broadcast_in_dim3A = vector.shape_cast %reduce_max3A_13 : vector<1024xf32> to vector<1x1024xf32>
    %iota3A = tpu.iota {dimensions = array<i32: 0>} : vector<64x1024xi32>
    %eq3A = vector.broadcast %broadcast_in_dim3A : vector<1x1024xf32> to vector<64x1024xf32>
    %eq3A_14 = arith.cmpf oeq, %slice3A_12, %eq3A : vector<64x1024xf32>
    %jit3A = arith.constant 64 : i32
    %broadcast_in_dim3A_15 = vector.broadcast %jit3A : i32 to vector<64x1024xi32>
    %select_n3A = arith.select %eq3A_14, %iota3A, %broadcast_in_dim3A_15 : vector<64x1024xi1>, vector<64x1024xi32>
    %reduce_min3A = arith.constant dense<2147483647> : vector<1024xi32>
    %reduce_min3A_16 = vector.multi_reduction <minsi>, %select_n3A, %reduce_min3A [0] : vector<64x1024xi32> to vector<1024xi32>
    %broadcast_in_dim3A_17 = vector.shape_cast %reduce_min3A_16 : vector<1024xi32> to vector<1x1024xi32>
    %eq3A_18 = vector.broadcast %broadcast_in_dim3A_17 : vector<1x1024xi32> to vector<64x1024xi32>
    %eq3A_19 = arith.cmpi eq, %iota3A, %eq3A_18 : vector<64x1024xi32>
    %convert_element_type3A = arith.extui %eq3A_19 : vector<64x1024xi1> to vector<64x1024xi32>
    %convert_element_type3A_20 = arith.sitofp %convert_element_type3A : vector<64x1024xi32> to vector<64x1024xf32>
    %swap3A_21 = arith.constant 0 : index
    %swap3A_22 = arith.constant 0 : index
    %swap3A_23 = vector.load %arg6[%swap3A_21, %swap3A_22] : memref<64x1024xf32, #tpu.memory_space<vmem>>, vector<64x1024xf32>
    tpu.vector_store %arg6[%swap3A_21, %swap3A_22], %convert_element_type3A_20 {strides = array<i32>} : memref<64x1024xf32, #tpu.memory_space<vmem>>, vector<64x1024xf32>,
    %slice3A_24 = vector.extract_strided_slice %add3A_9 {offsets = [128, 0], sizes = [1, 1024], strides = [1, 1]} : vector<192x1024xf32> to vector<1x1024xf32>
    %squeeze3A = vector.shape_cast %slice3A_24 : vector<1x1024xf32> to vector<1024xf32>
    %swap3A_25 = arith.constant 0 : index
    %swap3A_26 = vector.load %arg5[%swap3A_25] : memref<1024xf32, #tpu.memory_space<vmem>>, vector<1024xf32>
    tpu.vector_store %arg5[%swap3A_25], %squeeze3A {strides = array<i32>} : memref<1024xf32, #tpu.memory_space<vmem>>, vector<1024xf32>,
    return
  }
  func.func @transform_0(%arg0: i32) -> (i32, i32) {
    %c0_i32 = arith.constant 0 : i32
    %c0_i32_0 = arith.constant 0 : i32
    return %arg0, %c0_i32 : i32, i32
  }
  func.func @transform_1(%arg0: i32) -> (i32, i32) {
    %c0_i32 = arith.constant 0 : i32
    %c0_i32_0 = arith.constant 0 : i32
    %c0_i32_1 = arith.constant 0 : i32
    return %c0_i32, %c0_i32_0 : i32, i32
  }
  func.func @transform_2(%arg0: i32) -> (i32, i32) {
    %c0_i32 = arith.constant 0 : i32
    %c0_i32_0 = arith.constant 0 : i32
    %c0_i32_1 = arith.constant 0 : i32
    return %c0_i32, %c0_i32_0 : i32, i32
  }
  func.func @transform_3(%arg0: i32) -> (i32, i32) {
    %c0_i32 = arith.constant 0 : i32
    %c0_i32_0 = arith.constant 0 : i32
    return %c0_i32, %arg0 : i32, i32
  }
  func.func @transform_4(%arg0: i32) -> i32 {
    %c0_i32 = arith.constant 0 : i32
    return %arg0 : i32
  }
  func.func @transform_5(%arg0: i32) -> (i32, i32) {
    %c0_i32 = arith.constant 0 : i32
    %c0_i32_0 = arith.constant 0 : i32
    return %c0_i32, %arg0 : i32, i32
  }
}

</mosaic_0001>

<sc_bundles>
// kernel: kernel.4.cloned.1.call-start
scs
__scs_entry_jumppad:
0x0: {  	(pc) =	sbr.rel $0x88, $3  }
0x1: {  	(tag) =	ssettag $0x0;
	lr =	simm.s32 $0x1  }
0x2: {  	[smem:$0x3F9A] =	sst lr;
	_ =	strace $0xD0000000  }
0x3: {  	_ = 	snop  }
0x4: {  	_ = 	snop  }
0x5: {  	_ = 	snop  }
0x6: {  	_ = 	snop  }
0x7: {  	_ = 	snop  }
__scs_overlays_trampoline_lowered:
0x8: {  	[smem:$0x3FA9] =	sst s0  }
0x9: {  	[smem:$0x3FAA] =	sst s1  }
0xa: {  	[smem:$0x3FAB] =	sst s2  }
0xb: {  	[smem:$0x3FAC] =	sst s3  }
0xc: {  	[smem:$0x3FAD] =	sst s4  }
0xd: {  	[smem:$0x3FAE] =	sst s5  }
0xe: {  	[smem:$0x3FAF] =	sst s6  }
0xf: {  	[smem:$0x3FB0] =	sst s7  }
0x10: {  	[smem:$0x3FB1] =	sst s8  }
0x11: {  	[smem:$0x3FB2] =	sst s9;
	s0 =	simm.s32 @!p0 $0x0  }
0x12: {  	s1 =	sld [smem:$0x3F98];
	s0 =	simm.s32 @p0 $0x1  }
0x13: {  	[smem:$0x3FB3] =	sst s0;
	s0 =	simm.s32 @!p1 $0x0  }
0x14: {  	s2 =	sld [smem:$0x3F97];
	s0 =	simm.s32 @p1 $0x1  }
0x15: {  	[smem:$0x3FB4] =	sst s0;
	s0 =	simm.s32 @!p2 $0x0  }
0x16: {  	s3 =	sld [smem:$0x3FDB];
	s0 =	simm.s32 @p2 $0x1  }
0x17: {  	s4 =	simm.s32 $0x1BF5;
	[smem:$0x3FB6] =	sst s0  }
0x18: {  	s0 =	sld [smem:$0x3F99];
	_ =	swait.ge [sflag:s4], $0x0  }
0x19: {  	s7 =	sld [smem:$0x3F9A]  }
0x1a: {  	s8 =	sadd.s32 $0xFFFFE003, lr  }
0x1b: {  	s9 =	sadd.s32 $0xFFFFFEF7, lr;
	s5 =	simm.s32 $0xFFFFFFFF;
	p2 =	slt.u32 s8, $0xFFFFF086  }
0x1c: {  	p1 =	slt.u32 s9, $0xF7A;
	s5 =	simm.s32 @!p2 $0x0  }
0x1d: {  	s5 =	simm.s32 @p1 $0x1;
	p0 =	seq.s32 s7, s2  }
0x1e: {  	s7 =	smul.u32 @!p0 $0xF7A, s2;
	p2 =	seq.s32 @!p0 s5, $0x0  }
0x1f: {  	s9 =	smul.u32 $0xF7A, s1;
	s8 =	simm.s32 @!p0 $0x1BF5;
	p2 =	por !p2, p0  }
0x20: {  	[sflag:s8] =	ssyncset.s32 @!p0 $0xFFFFF086;
	s6 =	sadd.s32 @!p0 s3, s7;
	s7 =	simm.s32 @!p0 $0x108  }
0x21: {  	s3 =	sadd.s32 s3, s9;
	s6 =	sadd.s32 @!p0 $0x88, s6;
	s7 =	simm.s32 @p2 $0x1082  }
0x22: {  	[simem:s7], [sflag:s8] =	dma.local @!p0 [hbm:s6], $0xF7A  }
0x23: {  	s9 =	sor.u32 $0xD0000000, s2;
	s6 =	simm.s32 $0x108;
	_ =	swait.ge @!p0 [sflag:s8], $0x0  }
0x24: {  	s3 =	sadd.s32 $0x88, s3;
	s6 =	simm.s32 @!p1 $0x1082;
	[sflag:s4] =	ssyncset.s32 $0xFFFFF086  }
0x25: {  	[simem:s6], [sflag:s4] =	dma.local [hbm:s3], $0xF7A  }
0x26: {  	[smem:$0x3F9A] =	sst s1;
	(tag) =	ssettag s2;
	_ =	strace s9  }
0x27: {  	s1 =	sld [smem:$0x3FAA]  }
0x28: {  	s2 =	sld [smem:$0x3FAB]  }
0x29: {  	s4 =	sld [smem:$0x3FAD]  }
0x2a: {  	p0 =	seq.s32 s5, $0x0;
	s5 =	sld [smem:$0x3FAE]  }
0x2b: {  	s6 =	sld [smem:$0x3FAF]  }
0x2c: {  	s7 =	sld [smem:$0x3FB0]  }
0x2d: {  	s3 =	simm.s32 $0x108;
	s8 =	sld [smem:$0x3FB1]  }
0x2e: {  	s3 =	simm.s32 @!p0 $0x1082;
	s9 =	sld [smem:$0x3FB2]  }
0x2f: {  	lr =	sadd.s32 s0, s3;
	s0 =	sld [smem:$0x3FA9]  }
0x30: {  	s3 =	sld [smem:$0x3FAC]  }
0x31: {  	[smem:$0x3FB5] =	sst s10  }
0x32: {  	s10 =	sld [smem:$0x3FB3];
	_ =	sdelay $0x3  }
0x33: {  	p0 =	seq.s32 s10, $0x1;
	s10 =	sld [smem:$0x3FB5];
	_ =	sdelay $0x3  }
0x34: {  	[smem:$0x3FB5] =	sst s10  }
0x35: {  	s10 =	sld [smem:$0x3FB4];
	_ =	sdelay $0x3  }
0x36: {  	p1 =	seq.s32 s10, $0x1;
	s10 =	sld [smem:$0x3FB5];
	_ =	sdelay $0x3  }
0x37: {  	[smem:$0x3FB5] =	sst s10  }
0x38: {  	s10 =	sld [smem:$0x3FB6]  }
0x39: {  	_ = 	snop;
	(pc) =	sbr.ind lr, $3  }
0x3a: {  	_ = 	snop  }
0x3b: {  	_ = 	snop  }
0x3c: {  	p2 =	seq.s32 s10, $0x1;
	s10 =	sld [smem:$0x3FB5]  }
0x3d: {  	_ =	shalt  }
0x3e: {  	_ =	shalt  }
0x3f: {  	_ =	shalt  }
0x40: {  	_ =	shalt  }
0x41: {  	_ =	shalt  }
0x42: {  	_ =	shalt  }
0x43: {  	_ =	shalt  }
0x44: {  	_ =	shalt  }
0x45: {  	_ =	shalt  }
0x46: {  	_ =	shalt  }
0x47: {  	_ =	shalt  }
0x48: {  	_ =	shalt  }
0x49: {  	_ =	shalt  }
0x4a: {  	_ =	shalt  }
0x4b: {  	_ =	shalt  }
0x4c: {  	_ =	shalt  }
0x4d: {  	_ =	shalt  }
0x4e: {  	_ =	shalt  }
0x4f: {  	_ =	shalt  }
0x50: {  	_ =	shalt  }
0x51: {  	_ =	shalt  }
0x52: {  	_ =	shalt  }
0x53: {  	_ =	shalt  }
0x54: {  	_ =	shalt  }
0x55: {  	_ =	shalt  }
0x56: {  	_ =	shalt  }
0x57: {  	_ =	shalt  }
0x58: {  	_ =	shalt  }
0x59: {  	_ =	shalt  }
0x5a: {  	_ =	shalt  }
0x5b: {  	_ =	shalt  }
0x5c: {  	_ =	shalt  }
0x5d: {  	_ =	shalt  }
0x5e: {  	_ =	shalt  }
0x5f: {  	_ =	shalt  }
0x60: {  	_ =	shalt  }
0x61: {  	_ =	shalt  }
0x62: {  	_ =	shalt  }
0x63: {  	_ =	shalt  }
0x64: {  	_ =	shalt  }
0x65: {  	_ =	shalt  }
0x66: {  	_ =	shalt  }
0x67: {  	_ =	shalt  }
0x68: {  	_ =	shalt  }
0x69: {  	_ =	shalt  }
0x6a: {  	_ =	shalt  }
0x6b: {  	_ =	shalt  }
0x6c: {  	_ =	shalt  }
0x6d: {  	_ =	shalt  }
0x6e: {  	_ =	shalt  }
0x6f: {  	_ =	shalt  }
0x70: {  	_ =	shalt  }
0x71: {  	_ =	shalt  }
0x72: {  	_ =	shalt  }
0x73: {  	_ =	shalt  }
0x74: {  	_ =	shalt  }
0x75: {  	_ =	shalt  }
0x76: {  	_ =	shalt  }
0x77: {  	_ =	shalt  }
0x78: {  	_ =	shalt  }
0x79: {  	_ =	shalt  }
0x7a: {  	_ =	shalt  }
0x7b: {  	_ =	shalt  }
0x7c: {  	_ =	shalt  }
0x7d: {  	_ =	shalt  }
0x7e: {  	_ =	shalt  }
0x7f: {  	_ =	shalt  }
0x80: {  	_ =	shalt  }
0x81: {  	_ =	shalt  }
0x82: {  	_ =	shalt  }
0x83: {  	_ =	shalt  }
0x84: {  	_ =	shalt  }
0x85: {  	_ =	shalt  }
0x86: {  	_ =	shalt  }
0x87: {  	_ =	shalt  }
.Lfunc_end0:
.L_simem_size_0:
called_computation_lowered:
.L_overlay_start_0:
0x88: {  	s2 =	sld [smem:$0x3FD9]  }
0x89: {  	s3 =	sld [smem:$0x3FFE];
	_ =	sdelay $0x1  }
0x8a: {  	s1 =	srdreg.scid  }
0x8b: {  	s0 =	sand.u32 $0x1, s1  }
0x8c: {  	s15 =	sshll.u32 s0, $0xA;
	s2 =	sadd.s32 s3, s2  }
0x8d: {  	s2 =	sadd.s32 s2, s15  }
0x8e: {  	[smem:$0x3FC1] =	sst s2  }
0x8f: {  	_ = 	snop  }
0x90: {  	s2 =	sld [smem:$0x3FD0];
	_ =	sdelay $0x2  }
0x91: {  	s16 =	simm.s32 $0xA;
	s4 =	simm.s32 $0x10  }
0x92: {  	[smem:s4], [sflag:s16] =	dma.local [hbm:s2], $0x1  }
0x93: {  	_ =	swait.eq [sflag:s16], $0x1  }
0x94: {  	[sflag:s16] =	ssyncset.done $0x0  }
0x95: {  	[sflag:s16] =	ssyncadd.s32 $0xFFFFFFFF  }
0x96: {  	s17 =	sld [smem:$0x11];
	(tm) =	ssettm $0x1  }
0x97: {  	s18 =	sld [smem:$0x3FFB];
	_ =	sdelay $0x3  }
0x98: {  	_ =	strace s18  }
0x99: {  	s3 =	sld [smem:$0x3FFC];
	_ =	sdelay $0x3  }
0x9a: {  	_ =	strace s3  }
0x9b: {  	s3 =	sld [smem:$0x3FFD];
	_ =	sdelay $0x3  }
0x9c: {  	_ =	strace s3  }
0x9d: {  	_ =	strace $0x8FFFFFFF  }
0x9e: {  	s19 =	sld [smem:$0x3FDB];
	_ =	sdelay $0x1  }
0x9f: {  	s20 =	simm.s32 $_scs_section_size  }
0xa0: {  	s5 =	simm.s32 $_size__tile_overlayer_lowered;
	s6 =	simm.s32 $_tile_overlayer_lowered  }
0xa1: {  	s23 =	simm.s32 $0x1BFF;
	s22 =	sshll.u32 s6, $0x1;
	s3 =	sadd.s32 s20, s19  }
0xa2: {  	s7 =	simm.s32 $0x0;
	s21 =	sshll.u32 s5, $0x1;
	s5 =	sadd.s32 s22, s3  }
0xa3: {  	[timem:s7], [sflag:s23] =	dma.local [hbm:s5], s21  }
0xa4: {  	_ =	swait.ge [sflag:s23], s21  }
0xa5: {  	s4 =	ssub.s32 $0x0, s21;
	[sflag:s23] =	ssyncset.done $0x0  }
0xa6: {  	[sflag:s23] =	ssyncadd.s32 s4;
	_ =	sdelay $0x1  }
0xa7: {  	s24 =	simm.s32 $0x1B8B  }
0xa8: {  	_ =	swait.ge [sflag:s24], $0x1  }
0xa9: {  	[sflag:s24] =	ssyncset.done $0x0  }
0xaa: {  	s25 =	simm.s32 $0x1B8E;
	[sflag:s24] =	ssyncadd.s32 $0xFFFFFFFF  }
0xab: {  	s26 =	simm.s32 $execute0_lowered;
	[smem:$0x3FD2] =	sst s25  }
0xac: {  	s4 =	sshll.u32 s26, $0x1;
	_ =	strace $0x80000046;
	[dreg:$0x1] =	wrdreg $0xFFFFFFFF  }
0xad: {  	s28 =	simm.s32 $_size_execute0_lowered;
	s3 =	sadd.s32 s3, s4;
	[dreg:$0x0] =	wrdreg $0x0  }
0xae: {  	s4 =	sshll.u32 s28, $0x1;
	[dreg:$0x2] =	wrdreg s3  }
0xaf: {  	[dreg:$0x3] =	wrdreg s4  }
0xb0: {  	[dreg:$0x4] =	wrdreg $0xC0  }
0xb1: {  	_ =	task [dreg:s7], $0x5FFFF  }
0xb2: {  	[dreg:$0x1] =	wrdreg $0xFFFFFFFF  }
0xb3: {  	[dreg:$0x0] =	wrdreg $0x60  }
0xb4: {  	[dreg:$0x2] =	wrdreg s17  }
0xb5: {  	[dreg:$0x3] =	wrdreg $0x9  }
0xb6: {  	_ =	task.clear_ibuf [dreg:s7], $0x4FFFF;
	_ =	strace $0x90000046  }
0xb7: {  	s29 =	simm.s32 $0x9;
	_ =	strace $0x80000048  }
0xb8: {  	_ =	swait.ge [sflag:s29], $0x1  }
0xb9: {  	[sflag:s29] =	ssyncadd.s32 $0xFFFFFFFF  }
0xba: {  	_ =	strace $0x90000048  }
0xbb: {  	_ =	sfence  }
0xbc: {  	s30 =	sld [smem:$0x0];
	_ =	sdelay $0x2  }
0xbd: {  	s31 =	sshll.u32 s1, $0xD;
	s1 =	sshrl.u32 s1, $0x2  }
0xbe: {  	s3 =	sand.u32 $0x4000, s31;
	s1 =	sadd.s32 s1, s30  }
0xbf: {  	s0 =	sor.u32 s3, s0;
	s1 =	sshll.u32 s1, $0x11  }
0xc0: {  	s0 =	sor.u32 s1, s0  }
0xc1: {  	s0 =	sadd.s32 $0x8F2B, s0  }
0xc2: {  	[sflag:s0] =	ssyncadd.remote.s32 $0x1  }
0xc3: {  	_ =	sfence.sel $0xFFFF  }
0xc4: {  	[dreg:$0x0] =	wrdreg $0xFFFFFFFF;
	(pc) =	sbr.abs _section_cstart, $3  }
0xc5: {  	[dreg:$0x1] =	wrdreg $0xFFFFFFFF  }
0xc6: {  	_ =	task.clear_ibuf [dreg:s7], $0x2FFFF;
	_ =	strace $0x9FFFFFFF  }
0xc7: {  	(tm) =	ssettm $0x7FFFFFFF  }
tec
execute0_lowered:
.L_overlay_start_1:
0x0: {  	(tag) =	ssettag $0x1  }
0x1: {  	s1 =	srdreg.scid;
	s0 =	stileid.u32  }
0x2: {  	s10 =	rddreg [dreg:$0x0];
	s15 =	simm.s32 $0x0;
	s3 =	sand.u32 $0x1, s1  }
0x3: {  	s2 =	sshll.u32 s0, $0x2;
	s1 =	rddreg [dreg:$0x1];
	s11 =	sadd.s32 $0x1000, s10  }
0x4: {  	s13 =	sadd.s32 $0x2000, s10;
	s4 =	sshll.u32 s3, $0x1;
	s3 =	ssub.s32 $0x2, s3  }
0x5: {  	s4 =	sor.u32 s4, s2;
	s2 =	simm.s32 $0x0;
	s8 =	sshrl.u32 s3, $0x1  }
0x6: {  	s6 =	sshll.u32 s4, $0xE;
	s4 =	sshll.u32 s4, $0x7;
	[smem:$0x7FF] =	sst s2  }
0x7: {  	s12 =	ssub.s32 s3, s8;
	s7 =	sand.u32 $0xE0000, s6;
	s5 =	sand.u32 $0x300, s4  }
0x8: {  	_ =	strace $0x80000047;
	s4 =	sor.u32 s5, s7;
	s29 =	sor.u32 s6, s5  }
0x9: {  	s14 =	sor.u32 $0x80, s5;
	s9 =	sshrl.u32 s4, $0x3;
	s8 =	sshrl.u32 s29, $0x3  }
0xa: {  	s7 =	sor.u32 s7, s14;
	s14 =	sor.u32 s6, s14;
	s3 =	sadd.s32 s10, s9  }
0xb: {  	s4 =	sadd.s32 s9, s11;
	s5 =	sadd.s32 s9, s13;
	s8 =	sor.u32 $0x3000, s8  }
0xc: {  	s30 =	sshrl.u32 s7, $0x3;
	s14 =	sshrl.u32 s14, $0x3;
	s6 =	sadd.s32 s10, s8  }
0xd: {  	s7 =	sadd.s32 s10, s30;
	s8 =	sadd.s32 s30, s11;
	s9 =	sadd.s32 s30, s13  }
0xe: {  	s31 =	sor.u32 $0x3000, s14;
	s11 =	smax.u32 s12, $0x1;
	s12 =	simm.s32 $0x80  }
0xf: {  	v0 =	vimm.f32 $0.0e+00;
	s13 =	simm.s32 $0x400;
	s14 =	simm.s32 $0x1;
	s10 =	sadd.s32 s10, s31  }
.LBB2_1:
0x10: {  	s16 =	simm.s32 $0x40;
	s17 =	simm.s32 $0x0  }
.LBB2_2:
0x11: {  	p0 =	sne.s32 s16, $0x3FC0;
	[tilespmem:s17+$0x0] =	vst v0;
	s17 =	smov.u32 s16;
	s16 =	sadd.s32 $0x40, s16  }
.Ltmp0:
0x12: {  	(pc) =	sbr.rel @p0 .LBB2_2-.Ltmp0, $2  }
0x13: {  	_ =	sdelay $0x2  }
0x14: {  	s17 =	sshra.s32 s17, $0x2  }
0x15: {  	[tilespmem:s17+$0x0] =	vst v0  }
0x16: {  	[hbm4b:s3+s12] =	stream.strided.scatter [tilespmem:s2], [sflag:$0x1], $0x1000, s13, s12, $0x38;
	[tilespmem:$0x1000] =	vst v63  }
0x17: {  	_ = 	snop  }
0x18: {  	[hbm4b:s4+s12] =	stream.strided.scatter [tilespmem:s2], [sflag:$0x1], $0x1000, s13, s12, $0x38;
	[tilespmem:$0x1000] =	vst v63  }
0x19: {  	_ = 	snop  }
0x1a: {  	[hbm4b:s5+s12] =	stream.strided.scatter [tilespmem:s2], [sflag:$0x1], $0x1000, s13, s12, $0x38;
	[tilespmem:$0x1000] =	vst v63  }
0x1b: {  	_ = 	snop  }
0x1c: {  	[hbm4b:s6+s12] =	stream.strided.scatter [tilespmem:s2], [sflag:$0x1], $0x1000, s13, s12, $0x38;
	[tilespmem:$0x1000] =	vst v63  }
0x1d: {  	_ = 	snop  }
0x1e: {  	[hbm4b:s7+s12] =	stream.strided.scatter [tilespmem:s2], [sflag:$0x1], $0x1000, s13, s12, $0x38;
	[tilespmem:$0x1000] =	vst v63  }
0x1f: {  	_ = 	snop  }
0x20: {  	[hbm4b:s8+s12] =	stream.strided.scatter [tilespmem:s2], [sflag:$0x1], $0x1000, s13, s12, $0x38;
	[tilespmem:$0x1000] =	vst v63  }
0x21: {  	_ = 	snop  }
0x22: {  	[hbm4b:s9+s12] =	stream.strided.scatter [tilespmem:s2], [sflag:$0x1], $0x1000, s13, s12, $0x38;
	[tilespmem:$0x1000] =	vst v63  }
0x23: {  	_ = 	snop  }
0x24: {  	[hbm4b:s10+s12] =	stream.strided.scatter [tilespmem:s2], [sflag:$0x1], $0x1000, s13, s12, $0x38;
	[tilespmem:$0x1000] =	vst v63  }
0x25: {  	_ =	swait.ge [sflag:s14], $0x1000  }
0x26: {  	[sflag:s14] =	ssyncset.done $0x0  }
0x27: {  	[sflag:s14] =	ssyncadd.s32 $0xFFFFF000  }
0x28: {  	_ =	swait.ge [sflag:s14], $0x1000  }
0x29: {  	[sflag:s14] =	ssyncset.done $0x0  }
0x2a: {  	[sflag:s14] =	ssyncadd.s32 $0xFFFFF000  }
0x2b: {  	_ =	swait.ge [sflag:s14], $0x1000  }
0x2c: {  	[sflag:s14] =	ssyncset.done $0x0  }
0x2d: {  	[sflag:s14] =	ssyncadd.s32 $0xFFFFF000  }
0x2e: {  	_ =	swait.ge [sflag:s14], $0x1000  }
0x2f: {  	[sflag:s14] =	ssyncset.done $0x0  }
0x30: {  	[sflag:s14] =	ssyncadd.s32 $0xFFFFF000  }
0x31: {  	_ =	swait.ge [sflag:s14], $0x1000  }
0x32: {  	[sflag:s14] =	ssyncset.done $0x0  }
0x33: {  	[sflag:s14] =	ssyncadd.s32 $0xFFFFF000  }
0x34: {  	_ =	swait.ge [sflag:s14], $0x1000  }
0x35: {  	[sflag:s14] =	ssyncset.done $0x0  }
0x36: {  	s15 =	sadd.s32 $0x1, s15;
	[sflag:s14] =	ssyncadd.s32 $0xFFFFF000  }
0x37: {  	p0 =	sne.s32 s15, s11;
	_ =	swait.ge [sflag:s14], $0x1000  }
.Ltmp1:
0x38: {  	[sflag:s14] =	ssyncset.done $0x0;
	(pc) =	sbr.rel @p0 .LBB2_1-.Ltmp1, $4  }
0x39: {  	[sflag:s14] =	ssyncadd.s32 $0xFFFFF000  }
0x3a: {  	_ =	swait.ge [sflag:s14], $0x1000  }
0x3b: {  	[sflag:s14] =	ssyncset.done $0x0  }
0x3c: {  	[sflag:s14] =	ssyncadd.s32 $0xFFFFF000  }
0x3d: {  	_ =	sfence.sel $0x180000  }
0x3e: {  	[bflag:$0x0] =	sbarrier.arrive $0xFFFF  }
0x3f: {  	p0 =	sne.s32 s0, $0x0;
	_ =	strace $0x90000047  }
0x40: {  	s0 =	sadd.s32 @!p0 $0x100000, s1;
	[bflag:$0x2] =	sbarrier.arrive $0xFFFF  }
0x41: {  	[sflag:s0] =	ssyncadd.tile.s32 @!p0 $0x1;
	_ =	shalt  }
.Lfunc_end2:
_tile_overlayer_lowered:
.L_overlay_start_2:
0x42: {  	(tag) =	ssettag $0x2  }
0x43: {  	s0 =	rddreg [dreg:$0x0];
	s2 =	stileid.u32  }
0x44: {  	s1 =	rddreg [dreg:$0x1];
	p0 =	sne.s32 s2, $0x0  }
0x45: {  	s3 =	rddreg [dreg:$0x2];
	[bflag:$0x3] =	sbarrier.arrive $0xFFFF;
	s2 =	simm.s32 @!p0 $0x1C02  }
0x46: {  	[timem:s3], [sflag:s2] =	dma.local @!p0 [hbm:s0], s1  }
0x47: {  	s0 =	simm.s32 @!p0 $0x2  }
0x48: {  	_ =	swait.ge @!p0 [sflag:s0], s1  }
0x49: {  	s1 =	ssub.s32 @!p0 $0x0, s1;
	[sflag:s0] =	ssyncset.done @!p0 $0x0  }
0x4a: {  	[sflag:s0] =	ssyncadd.s32 @!p0 s1  }
0x4b: {  	[bflag:$0x3] =	sbarrier.arrive $0xFFFF  }
0x4c: {  	_ =	shalt  }

</sc_bundles>
